<compile_context>
chip_gen: v7x
topology: tpu7x:2x2x1
jax: 0.10.2.dev20260603
libtpu: 0.0.44.dev20260713+nightly
codegen_flags: <defaults>
</compile_context>

<pallas_src>
import functools

import jax
import jax.numpy as jnp
from jax import lax
from jax.experimental import pallas as pl
from jax.experimental.pallas import tpu as pltpu
from jax.experimental.pallas import tpu_sc as plsc

_NC, _NS, _L = 2, 16, 16

_VOCAB = 1000000
_D = 64
_B = 16384
_IC = 128

_BLK = 65536
_NB = -(-_VOCAB // _BLK)
_VPAD = _NB * _BLK
_SUB = 8192
_NSUB = _BLK // _SUB


_mesh = plsc.VectorSubcoreMesh(core_axis_name="c", subcore_axis_name="s")

_BPT = _B // _NS
_H = _VPAD // _NC
_SPT = _H // _NS
_SENT = 0x7FFFFFFF


@functools.partial(
    pl.kernel,
    out_type=jax.ShapeDtypeStruct((1, _VPAD), jnp.float32),
    mesh=_mesh,
    compiler_params=pltpu.CompilerParams(needs_layout_passes=False),
    scratch_types=[
        pltpu.VMEM((_BPT,), jnp.int32),
        pltpu.VMEM((_BPT,), jnp.int32),
        pltpu.VMEM((_BPT,), jnp.float32),
        pltpu.VMEM((_SPT,), jnp.float32),
        pltpu.VMEM_SHARED((_H,), jnp.float32),
    ],
)
def _hist(idx_hbm, out_hbm, idx_v, idx2_v, ones_v, stage_v, counts_sp):
    core = lax.axis_index("c")
    sid = lax.axis_index("s")
    base = sid * _BPT
    pltpu.sync_copy(idx_hbm.at[pl.ds(base, _BPT)], idx_v)
    lo = core * _H

    def fill(k, carry):
        sl = pl.ds(k * _L, _L)
        iv = idx_v[sl] - lo
        inhalf = jnp.logical_and(iv >= 0, iv < _H)
        idx2_v[sl] = jnp.where(inhalf, iv, _SENT)
        ones_v[sl] = jnp.full((_L,), 1.0, jnp.float32)
        return carry

    lax.fori_loop(0, _BPT // _L, fill, 0)
    lax.fori_loop(0, _SPT // _L,
                  lambda k, c: (stage_v.__setitem__(pl.ds(k * _L, _L),
                                                    jnp.zeros((_L,),
                                                              jnp.float32)),
                                c)[1], 0)

    pltpu.sync_copy(stage_v, counts_sp.at[pl.ds(sid * _SPT, _SPT)])
    plsc.subcore_barrier()

    for c in range(_BPT // _IC):
        pltpu.sync_copy(
            ones_v.at[pl.ds(c * _IC, _IC)],
            counts_sp.at[plsc.Indices(idx2_v.at[pl.ds(c * _IC, _IC)],
                                      ignored_value=_SENT)],
            add=True)
    plsc.subcore_barrier()

    pltpu.sync_copy(counts_sp.at[pl.ds(sid * _SPT, _SPT)], stage_v)
    pltpu.sync_copy(stage_v, out_hbm.at[0, pl.ds(lo + sid * _SPT, _SPT)])


def _acc_body(a_ref, h_ref, out_ref):
    i = pl.program_id(0)

    @pl.when(i == 0)
    def _():
        out_ref[...] = jnp.zeros_like(out_ref)

    sss = []
    for k in range(_NSUB):
        xk = a_ref[:, pl.ds(k * _SUB, _SUB)]
        sss.append(jnp.sum(xk * xk, axis=0, keepdims=True))
    part = jnp.zeros((1, _D), jnp.float32)
    for k in range(_NSUB):
        sl = pl.ds(k * _SUB, _SUB)
        h = h_ref[:, sl]
        v = jnp.where(h > 0,
                      h / jnp.sqrt(jnp.maximum(sss[k], 1e-30)),
                      0.0)
        xk = a_ref[:, sl]
        part = part + jnp.sum(xk * v, axis=1).reshape(1, _D)
    out_ref[...] += part


_acc_call = pl.pallas_call(
    _acc_body,
    grid=(_NB,),
    in_specs=[
        pl.BlockSpec((_D, _BLK), lambda i: (0, i)),
        pl.BlockSpec((1, _BLK), lambda i: (0, i)),
    ],
    out_specs=pl.BlockSpec((1, _D), lambda i: (0, 0)),
    out_shape=jax.ShapeDtypeStruct((1, _D), jnp.float32),
    compiler_params=pltpu.CompilerParams(vmem_limit_bytes=100 * 1024 * 1024),
)


def kernel(input_indices, weights):
    a = weights.T
    hist = _hist(input_indices.astype(jnp.int32))
    return _acc_call(a, hist)

# --- scband reference (transcript-rebuilt; emitter-appended) ---
"""Pipeline reference for scband-holographic-embedding-layer-15135464751848 (READ-ONLY COPY).

The authoritative reference and input builder live on the scoring server;
editing this copy changes nothing except your own understanding.
"""

import jax, jax.numpy as jnp
import numpy as np

VOCAB = 1000000
EMBED_DIM = 64
BATCH = 16384

def setup_inputs(seed: int = 0) -> dict:
    key = jax.random.key(seed)
    k_idx, k_w = jax.random.split(key)
    input_indices = jax.random.randint(k_idx, (BATCH,), 0, VOCAB, dtype=jnp.int64 if jax.config.jax_enable_x64 else jnp.int32)
    weights = jax.random.normal(k_w, (VOCAB, EMBED_DIM), dtype=jnp.float32)
    return {"input_indices": input_indices, "weights": weights}

def reference(input_indices, weights):
    # gather rows of the embedding table
    input_embeddings = jnp.take(weights, input_indices, axis=0)
    # L2-normalize each gathered embedding row
    norm = jnp.sqrt(jnp.sum(input_embeddings ** 2, axis=1, keepdims=True))
    input_embeddings = input_embeddings / norm
    # superpose (holographic) sum over the batch dimension
    holo_embedding = jnp.sum(input_embeddings, axis=0, keepdims=True)
    return holo_embedding

if __name__ == "__main__":
    import jax
    _d = setup_inputs()
    print(jax.jit(kernel)(*tuple(_d.values())))

</pallas_src>

<mosaic_0001>
#map = affine_map<(d0, d1) -> (0)>
#map1 = affine_map<(d0, d1) -> (0, 0)>
module attributes {stable_mosaic.version = 14 : i64} {
  func.func @_hist(%arg0: i32, %arg1: i32, %arg2: memref<16384xi32, #tpu.memory_space<hbm>>, %arg3: memref<1x1048576xf32, #tpu.memory_space<hbm>>, %arg4: memref<1024xi32, #tpu.memory_space<vmem>>, %arg5: memref<1024xi32, #tpu.memory_space<vmem>>, %arg6: memref<1024xf32, #tpu.memory_space<vmem>>, %arg7: memref<32768xf32, #tpu.memory_space<vmem>>, %arg8: memref<524288xf32, #tpu.memory_space<vmem_shared>>) attributes {dimension_semantics = [#tpu.dimension_semantics<core_parallel>, #tpu.dimension_semantics<subcore_parallel>], iteration_bounds = array<i64: 2, 16>, scalar_prefetch = 0 : i64, scratch_operands = 5 : i64, tpu.core_type = #tpu.core_type<sc_vector_subcore>, window_params = [{transform_indices = #map}, {transform_indices = #map1}]} {
    %mul3A = arith.constant 1024 : i32
    %mul3A_0 = arith.muli %arg1, %mul3A : i32
    "tpu.region"() ({
      %run_scoped3A_21 = tpu.sem_alloc : memref<!tpu.dma_semaphore, #tpu.memory_space<semaphore_mem>>
      %dma_start3A = tpu.memref_slice %arg2[%mul3A_0] : memref<16384xi32, #tpu.memory_space<hbm>> -> memref<1024xi32, #tpu.memory_space<hbm>>
      %dma_start3A_22 = tpu.memref_slice %arg2[%mul3A_0] : memref<16384xi32, #tpu.memory_space<hbm>> -> memref<1024xi32, #tpu.memory_space<hbm>>
      tpu.enqueue_dma source(%dma_start3A_22 : memref<1024xi32, #tpu.memory_space<hbm>>) target(%arg4 : memref<1024xi32, #tpu.memory_space<vmem>>) target_semaphore(%run_scoped3A_21 : memref<!tpu.dma_semaphore, #tpu.memory_space<semaphore_mem>>)
      %dma_wait3A = tpu.memref_slice %arg2[%mul3A_0] : memref<16384xi32, #tpu.memory_space<hbm>> -> memref<1024xi32, #tpu.memory_space<hbm>>
      %dma_wait3A_23 = tpu.memref_slice %arg2[%mul3A_0] : memref<16384xi32, #tpu.memory_space<hbm>> -> memref<1024xi32, #tpu.memory_space<hbm>>
      tpu.wait_dma2 semaphore(%run_scoped3A_21 : memref<!tpu.dma_semaphore, #tpu.memory_space<semaphore_mem>>) src(%dma_wait3A_23 : memref<1024xi32, #tpu.memory_space<hbm>>) dst(%arg4 : memref<1024xi32, #tpu.memory_space<vmem>>)
      tpu.yield
    }) : () -> ()
    %mul3A_1 = arith.constant 524288 : i32
    %mul3A_2 = arith.muli %arg0, %mul3A_1 : i32
    %scan3A = arith.constant 0 : i32
    %scan3A_3 = arith.constant 0 : i32
    %scan3A_4 = arith.constant 64 : i32
    %scan3A_5 = arith.addi %scan3A_3, %scan3A_4 : i32
    %scan3A_6 = arith.constant 1 : i32
    scf.for %scan3A_21 = %scan3A_3 to %scan3A_5 step %scan3A_6  : i32 {
      %mul3A_22 = arith.constant 16 : i32
      %mul3A_23 = arith.muli %scan3A_21, %mul3A_22 : i32
      %get3A = arith.index_cast %mul3A_23 : i32 to index
      %get3A_24 = tpu.vector_load %arg4[%get3A] {strides = array<i32>} : memref<1024xi32, #tpu.memory_space<vmem>>, vector<16xi32>,
      %sub3A = vector.broadcast %mul3A_2 : i32 to vector<16xi32>
      %sub3A_25 = arith.subi %get3A_24, %sub3A : vector<16xi32>
      %ge3A = arith.constant 0 : i32
      %ge3A_26 = vector.broadcast %ge3A : i32 to vector<16xi32>
      %ge3A_27 = arith.cmpi sge, %sub3A_25, %ge3A_26 : vector<16xi32>
      %lt3A = arith.constant 524288 : i32
      %lt3A_28 = vector.broadcast %lt3A : i32 to vector<16xi32>
      %lt3A_29 = arith.cmpi slt, %sub3A_25, %lt3A_28 : vector<16xi32>
      %and3A = arith.andi %ge3A_27, %lt3A_29 : vector<16xi1>
      %jit3A = arith.constant 2147483647 : i32
      %broadcast_in_dim3A = vector.broadcast %jit3A : i32 to vector<16xi32>
      %select_n3A = arith.select %and3A, %sub3A_25, %broadcast_in_dim3A : vector<16xi1>, vector<16xi32>
      %swap3A = arith.index_cast %mul3A_23 : i32 to index
      %swap3A_30 = tpu.vector_load %arg5[%swap3A] {strides = array<i32>} : memref<1024xi32, #tpu.memory_space<vmem>>, vector<16xi32>,
      tpu.vector_store %arg5[%swap3A], %select_n3A {strides = array<i32>} : memref<1024xi32, #tpu.memory_space<vmem>>, vector<16xi32>,
      %broadcast_in_dim3A_31 = arith.constant 1.000000e+00 : f32
      %broadcast_in_dim3A_32 = vector.broadcast %broadcast_in_dim3A_31 : f32 to vector<16xf32>
      %swap3A_33 = arith.index_cast %mul3A_23 : i32 to index
      %swap3A_34 = tpu.vector_load %arg6[%swap3A_33] {strides = array<i32>} : memref<1024xf32, #tpu.memory_space<vmem>>, vector<16xf32>,
      tpu.vector_store %arg6[%swap3A_33], %broadcast_in_dim3A_32 {strides = array<i32>} : memref<1024xf32, #tpu.memory_space<vmem>>, vector<16xf32>,
    }
    %scan3A_7 = arith.constant 64 : i32
    %scan3A_8 = arith.constant 0 : i32
    %scan3A_9 = arith.constant 0 : i32
    %scan3A_10 = arith.constant 2048 : i32
    %scan3A_11 = arith.addi %scan3A_9, %scan3A_10 : i32
    %scan3A_12 = arith.constant 1 : i32
    scf.for %scan3A_21 = %scan3A_9 to %scan3A_11 step %scan3A_12  : i32 {
      %mul3A_22 = arith.constant 16 : i32
      %mul3A_23 = arith.muli %scan3A_21, %mul3A_22 : i32
      %broadcast_in_dim3A = arith.constant 0.000000e+00 : f32
      %broadcast_in_dim3A_24 = vector.broadcast %broadcast_in_dim3A : f32 to vector<16xf32>
      %swap3A = arith.index_cast %mul3A_23 : i32 to index
      %swap3A_25 = tpu.vector_load %arg7[%swap3A] {strides = array<i32>} : memref<32768xf32, #tpu.memory_space<vmem>>, vector<16xf32>,
      tpu.vector_store %arg7[%swap3A], %broadcast_in_dim3A_24 {strides = array<i32>} : memref<32768xf32, #tpu.memory_space<vmem>>, vector<16xf32>,
    }
    %scan3A_13 = arith.constant 2048 : i32
    %mul3A_14 = arith.constant 32768 : i32
    %mul3A_15 = arith.muli %arg1, %mul3A_14 : i32
    "tpu.region"() ({
      %run_scoped3A_21 = tpu.sem_alloc : memref<!tpu.dma_semaphore, #tpu.memory_space<semaphore_mem>>
      %dma_start3A = tpu.memref_slice %arg8[%mul3A_15] : memref<524288xf32, #tpu.memory_space<vmem_shared>> -> memref<32768xf32, #tpu.memory_space<vmem_shared>>
      %dma_start3A_22 = tpu.memref_slice %arg8[%mul3A_15] : memref<524288xf32, #tpu.memory_space<vmem_shared>> -> memref<32768xf32, #tpu.memory_space<vmem_shared>>
      tpu.enqueue_dma source(%arg7 : memref<32768xf32, #tpu.memory_space<vmem>>) target(%dma_start3A_22 : memref<32768xf32, #tpu.memory_space<vmem_shared>>) target_semaphore(%run_scoped3A_21 : memref<!tpu.dma_semaphore, #tpu.memory_space<semaphore_mem>>)
      %dma_wait3A = tpu.memref_slice %arg8[%mul3A_15] : memref<524288xf32, #tpu.memory_space<vmem_shared>> -> memref<32768xf32, #tpu.memory_space<vmem_shared>>
      %dma_wait3A_23 = tpu.memref_slice %arg8[%mul3A_15] : memref<524288xf32, #tpu.memory_space<vmem_shared>> -> memref<32768xf32, #tpu.memory_space<vmem_shared>>
      tpu.wait_dma2 semaphore(%run_scoped3A_21 : memref<!tpu.dma_semaphore, #tpu.memory_space<semaphore_mem>>) src(%arg7 : memref<32768xf32, #tpu.memory_space<vmem>>) dst(%dma_wait3A_23 : memref<32768xf32, #tpu.memory_space<vmem_shared>>)
      tpu.yield
    }) : () -> ()
    %barrier3A = arith.constant 0 : index
    tpu.barrier barrier_id(%barrier3A)
    "tpu.region"() ({
      %run_scoped3A_21 = tpu.sem_alloc : memref<!tpu.dma_semaphore, #tpu.memory_space<semaphore_mem>>
      %dma_start3A = arith.constant 0 : i32
      %dma_start3A_22 = tpu.memref_slice %arg6[%dma_start3A] : memref<1024xf32, #tpu.memory_space<vmem>> -> memref<128xf32, #tpu.memory_space<vmem>>
      %dma_start3A_23 = arith.constant 0 : i32
      %dma_start3A_24 = tpu.memref_slice %arg5[%dma_start3A_23] : memref<1024xi32, #tpu.memory_space<vmem>> -> memref<128xi32, #tpu.memory_space<vmem>>
      %dma_start3A_25 = arith.constant 0 : i32
      %dma_start3A_26 = tpu.memref_slice %arg8[%dma_start3A_25] : memref<524288xf32, #tpu.memory_space<vmem_shared>> -> memref<524288xf32, #tpu.memory_space<vmem_shared>>
      %dma_start3A_27 = arith.constant 2147483647 : i32
      tpu.enqueue_indirect_dma source(%dma_start3A_22 : memref<128xf32, #tpu.memory_space<vmem>>) target(%dma_start3A_26 : memref<524288xf32, #tpu.memory_space<vmem_shared>>) offsets(%dma_start3A_24 : memref<128xi32, #tpu.memory_space<vmem>>) offset_filter(%dma_start3A_27) semaphore(%run_scoped3A_21 : memref<!tpu.dma_semaphore, #tpu.memory_space<semaphore_mem>>) {add = true}
      %dma_wait3A = arith.constant 0 : i32
      %dma_wait3A_28 = tpu.memref_slice %arg6[%dma_wait3A] : memref<1024xf32, #tpu.memory_space<vmem>> -> memref<128xf32, #tpu.memory_space<vmem>>
      %dma_wait3A_29 = arith.constant 0 : i32
      %dma_wait3A_30 = tpu.memref_slice %arg5[%dma_wait3A_29] : memref<1024xi32, #tpu.memory_space<vmem>> -> memref<128xi32, #tpu.memory_space<vmem>>
      %dma_wait3A_31 = arith.constant 0 : i32
      %dma_wait3A_32 = tpu.memref_slice %arg8[%dma_wait3A_31] : memref<524288xf32, #tpu.memory_space<vmem_shared>> -> memref<524288xf32, #tpu.memory_space<vmem_shared>>
      tpu.wait_indirect_dma semaphore(%run_scoped3A_21 : memref<!tpu.dma_semaphore, #tpu.memory_space<semaphore_mem>>) src(%dma_wait3A_28 : memref<128xf32, #tpu.memory_space<vmem>>) dst(%dma_wait3A_32 : memref<524288xf32, #tpu.memory_space<vmem_shared>>)
      tpu.yield
    }) : () -> ()
    "tpu.region"() ({
      %run_scoped3A_21 = tpu.sem_alloc : memref<!tpu.dma_semaphore, #tpu.memory_space<semaphore_mem>>
      %dma_start3A = arith.constant 128 : i32
      %dma_start3A_22 = tpu.memref_slice %arg6[%dma_start3A] : memref<1024xf32, #tpu.memory_space<vmem>> -> memref<128xf32, #tpu.memory_space<vmem>>
      %dma_start3A_23 = arith.constant 128 : i32
      %dma_start3A_24 = tpu.memref_slice %arg5[%dma_start3A_23] : memref<1024xi32, #tpu.memory_space<vmem>> -> memref<128xi32, #tpu.memory_space<vmem>>
      %dma_start3A_25 = arith.constant 0 : i32
      %dma_start3A_26 = tpu.memref_slice %arg8[%dma_start3A_25] : memref<524288xf32, #tpu.memory_space<vmem_shared>> -> memref<524288xf32, #tpu.memory_space<vmem_shared>>
      %dma_start3A_27 = arith.constant 2147483647 : i32
      tpu.enqueue_indirect_dma source(%dma_start3A_22 : memref<128xf32, #tpu.memory_space<vmem>>) target(%dma_start3A_26 : memref<524288xf32, #tpu.memory_space<vmem_shared>>) offsets(%dma_start3A_24 : memref<128xi32, #tpu.memory_space<vmem>>) offset_filter(%dma_start3A_27) semaphore(%run_scoped3A_21 : memref<!tpu.dma_semaphore, #tpu.memory_space<semaphore_mem>>) {add = true}
      %dma_wait3A = arith.constant 128 : i32
      %dma_wait3A_28 = tpu.memref_slice %arg6[%dma_wait3A] : memref<1024xf32, #tpu.memory_space<vmem>> -> memref<128xf32, #tpu.memory_space<vmem>>
      %dma_wait3A_29 = arith.constant 128 : i32
      %dma_wait3A_30 = tpu.memref_slice %arg5[%dma_wait3A_29] : memref<1024xi32, #tpu.memory_space<vmem>> -> memref<128xi32, #tpu.memory_space<vmem>>
      %dma_wait3A_31 = arith.constant 0 : i32
      %dma_wait3A_32 = tpu.memref_slice %arg8[%dma_wait3A_31] : memref<524288xf32, #tpu.memory_space<vmem_shared>> -> memref<524288xf32, #tpu.memory_space<vmem_shared>>
      tpu.wait_indirect_dma semaphore(%run_scoped3A_21 : memref<!tpu.dma_semaphore, #tpu.memory_space<semaphore_mem>>) src(%dma_wait3A_28 : memref<128xf32, #tpu.memory_space<vmem>>) dst(%dma_wait3A_32 : memref<524288xf32, #tpu.memory_space<vmem_shared>>)
      tpu.yield
    }) : () -> ()
    "tpu.region"() ({
      %run_scoped3A_21 = tpu.sem_alloc : memref<!tpu.dma_semaphore, #tpu.memory_space<semaphore_mem>>
      %dma_start3A = arith.constant 256 : i32
      %dma_start3A_22 = tpu.memref_slice %arg6[%dma_start3A] : memref<1024xf32, #tpu.memory_space<vmem>> -> memref<128xf32, #tpu.memory_space<vmem>>
      %dma_start3A_23 = arith.constant 256 : i32
      %dma_start3A_24 = tpu.memref_slice %arg5[%dma_start3A_23] : memref<1024xi32, #tpu.memory_space<vmem>> -> memref<128xi32, #tpu.memory_space<vmem>>
      %dma_start3A_25 = arith.constant 0 : i32
      %dma_start3A_26 = tpu.memref_slice %arg8[%dma_start3A_25] : memref<524288xf32, #tpu.memory_space<vmem_shared>> -> memref<524288xf32, #tpu.memory_space<vmem_shared>>
      %dma_start3A_27 = arith.constant 2147483647 : i32
      tpu.enqueue_indirect_dma source(%dma_start3A_22 : memref<128xf32, #tpu.memory_space<vmem>>) target(%dma_start3A_26 : memref<524288xf32, #tpu.memory_space<vmem_shared>>) offsets(%dma_start3A_24 : memref<128xi32, #tpu.memory_space<vmem>>) offset_filter(%dma_start3A_27) semaphore(%run_scoped3A_21 : memref<!tpu.dma_semaphore, #tpu.memory_space<semaphore_mem>>) {add = true}
      %dma_wait3A = arith.constant 256 : i32
      %dma_wait3A_28 = tpu.memref_slice %arg6[%dma_wait3A] : memref<1024xf32, #tpu.memory_space<vmem>> -> memref<128xf32, #tpu.memory_space<vmem>>
      %dma_wait3A_29 = arith.constant 256 : i32
      %dma_wait3A_30 = tpu.memref_slice %arg5[%dma_wait3A_29] : memref<1024xi32, #tpu.memory_space<vmem>> -> memref<128xi32, #tpu.memory_space<vmem>>
      %dma_wait3A_31 = arith.constant 0 : i32
      %dma_wait3A_32 = tpu.memref_slice %arg8[%dma_wait3A_31] : memref<524288xf32, #tpu.memory_space<vmem_shared>> -> memref<524288xf32, #tpu.memory_space<vmem_shared>>
      tpu.wait_indirect_dma semaphore(%run_scoped3A_21 : memref<!tpu.dma_semaphore, #tpu.memory_space<semaphore_mem>>) src(%dma_wait3A_28 : memref<128xf32, #tpu.memory_space<vmem>>) dst(%dma_wait3A_32 : memref<524288xf32, #tpu.memory_space<vmem_shared>>)
      tpu.yield
    }) : () -> ()
    "tpu.region"() ({
      %run_scoped3A_21 = tpu.sem_alloc : memref<!tpu.dma_semaphore, #tpu.memory_space<semaphore_mem>>
      %dma_start3A = arith.constant 384 : i32
      %dma_start3A_22 = tpu.memref_slice %arg6[%dma_start3A] : memref<1024xf32, #tpu.memory_space<vmem>> -> memref<128xf32, #tpu.memory_space<vmem>>
      %dma_start3A_23 = arith.constant 384 : i32
      %dma_start3A_24 = tpu.memref_slice %arg5[%dma_start3A_23] : memref<1024xi32, #tpu.memory_space<vmem>> -> memref<128xi32, #tpu.memory_space<vmem>>
      %dma_start3A_25 = arith.constant 0 : i32
      %dma_start3A_26 = tpu.memref_slice %arg8[%dma_start3A_25] : memref<524288xf32, #tpu.memory_space<vmem_shared>> -> memref<524288xf32, #tpu.memory_space<vmem_shared>>
      %dma_start3A_27 = arith.constant 2147483647 : i32
      tpu.enqueue_indirect_dma source(%dma_start3A_22 : memref<128xf32, #tpu.memory_space<vmem>>) target(%dma_start3A_26 : memref<524288xf32, #tpu.memory_space<vmem_shared>>) offsets(%dma_start3A_24 : memref<128xi32, #tpu.memory_space<vmem>>) offset_filter(%dma_start3A_27) semaphore(%run_scoped3A_21 : memref<!tpu.dma_semaphore, #tpu.memory_space<semaphore_mem>>) {add = true}
      %dma_wait3A = arith.constant 384 : i32
      %dma_wait3A_28 = tpu.memref_slice %arg6[%dma_wait3A] : memref<1024xf32, #tpu.memory_space<vmem>> -> memref<128xf32, #tpu.memory_space<vmem>>
      %dma_wait3A_29 = arith.constant 384 : i32
      %dma_wait3A_30 = tpu.memref_slice %arg5[%dma_wait3A_29] : memref<1024xi32, #tpu.memory_space<vmem>> -> memref<128xi32, #tpu.memory_space<vmem>>
      %dma_wait3A_31 = arith.constant 0 : i32
      %dma_wait3A_32 = tpu.memref_slice %arg8[%dma_wait3A_31] : memref<524288xf32, #tpu.memory_space<vmem_shared>> -> memref<524288xf32, #tpu.memory_space<vmem_shared>>
      tpu.wait_indirect_dma semaphore(%run_scoped3A_21 : memref<!tpu.dma_semaphore, #tpu.memory_space<semaphore_mem>>) src(%dma_wait3A_28 : memref<128xf32, #tpu.memory_space<vmem>>) dst(%dma_wait3A_32 : memref<524288xf32, #tpu.memory_space<vmem_shared>>)
      tpu.yield
    }) : () -> ()
    "tpu.region"() ({
      %run_scoped3A_21 = tpu.sem_alloc : memref<!tpu.dma_semaphore, #tpu.memory_space<semaphore_mem>>
      %dma_start3A = arith.constant 512 : i32
      %dma_start3A_22 = tpu.memref_slice %arg6[%dma_start3A] : memref<1024xf32, #tpu.memory_space<vmem>> -> memref<128xf32, #tpu.memory_space<vmem>>
      %dma_start3A_23 = arith.constant 512 : i32
      %dma_start3A_24 = tpu.memref_slice %arg5[%dma_start3A_23] : memref<1024xi32, #tpu.memory_space<vmem>> -> memref<128xi32, #tpu.memory_space<vmem>>
      %dma_start3A_25 = arith.constant 0 : i32
      %dma_start3A_26 = tpu.memref_slice %arg8[%dma_start3A_25] : memref<524288xf32, #tpu.memory_space<vmem_shared>> -> memref<524288xf32, #tpu.memory_space<vmem_shared>>
      %dma_start3A_27 = arith.constant 2147483647 : i32
      tpu.enqueue_indirect_dma source(%dma_start3A_22 : memref<128xf32, #tpu.memory_space<vmem>>) target(%dma_start3A_26 : memref<524288xf32, #tpu.memory_space<vmem_shared>>) offsets(%dma_start3A_24 : memref<128xi32, #tpu.memory_space<vmem>>) offset_filter(%dma_start3A_27) semaphore(%run_scoped3A_21 : memref<!tpu.dma_semaphore, #tpu.memory_space<semaphore_mem>>) {add = true}
      %dma_wait3A = arith.constant 512 : i32
      %dma_wait3A_28 = tpu.memref_slice %arg6[%dma_wait3A] : memref<1024xf32, #tpu.memory_space<vmem>> -> memref<128xf32, #tpu.memory_space<vmem>>
      %dma_wait3A_29 = arith.constant 512 : i32
      %dma_wait3A_30 = tpu.memref_slice %arg5[%dma_wait3A_29] : memref<1024xi32, #tpu.memory_space<vmem>> -> memref<128xi32, #tpu.memory_space<vmem>>
      %dma_wait3A_31 = arith.constant 0 : i32
      %dma_wait3A_32 = tpu.memref_slice %arg8[%dma_wait3A_31] : memref<524288xf32, #tpu.memory_space<vmem_shared>> -> memref<524288xf32, #tpu.memory_space<vmem_shared>>
      tpu.wait_indirect_dma semaphore(%run_scoped3A_21 : memref<!tpu.dma_semaphore, #tpu.memory_space<semaphore_mem>>) src(%dma_wait3A_28 : memref<128xf32, #tpu.memory_space<vmem>>) dst(%dma_wait3A_32 : memref<524288xf32, #tpu.memory_space<vmem_shared>>)
      tpu.yield
    }) : () -> ()
    "tpu.region"() ({
      %run_scoped3A_21 = tpu.sem_alloc : memref<!tpu.dma_semaphore, #tpu.memory_space<semaphore_mem>>
      %dma_start3A = arith.constant 640 : i32
      %dma_start3A_22 = tpu.memref_slice %arg6[%dma_start3A] : memref<1024xf32, #tpu.memory_space<vmem>> -> memref<128xf32, #tpu.memory_space<vmem>>
      %dma_start3A_23 = arith.constant 640 : i32
      %dma_start3A_24 = tpu.memref_slice %arg5[%dma_start3A_23] : memref<1024xi32, #tpu.memory_space<vmem>> -> memref<128xi32, #tpu.memory_space<vmem>>
      %dma_start3A_25 = arith.constant 0 : i32
      %dma_start3A_26 = tpu.memref_slice %arg8[%dma_start3A_25] : memref<524288xf32, #tpu.memory_space<vmem_shared>> -> memref<524288xf32, #tpu.memory_space<vmem_shared>>
      %dma_start3A_27 = arith.constant 2147483647 : i32
      tpu.enqueue_indirect_dma source(%dma_start3A_22 : memref<128xf32, #tpu.memory_space<vmem>>) target(%dma_start3A_26 : memref<524288xf32, #tpu.memory_space<vmem_shared>>) offsets(%dma_start3A_24 : memref<128xi32, #tpu.memory_space<vmem>>) offset_filter(%dma_start3A_27) semaphore(%run_scoped3A_21 : memref<!tpu.dma_semaphore, #tpu.memory_space<semaphore_mem>>) {add = true}
      %dma_wait3A = arith.constant 640 : i32
      %dma_wait3A_28 = tpu.memref_slice %arg6[%dma_wait3A] : memref<1024xf32, #tpu.memory_space<vmem>> -> memref<128xf32, #tpu.memory_space<vmem>>
      %dma_wait3A_29 = arith.constant 640 : i32
      %dma_wait3A_30 = tpu.memref_slice %arg5[%dma_wait3A_29] : memref<1024xi32, #tpu.memory_space<vmem>> -> memref<128xi32, #tpu.memory_space<vmem>>
      %dma_wait3A_31 = arith.constant 0 : i32
      %dma_wait3A_32 = tpu.memref_slice %arg8[%dma_wait3A_31] : memref<524288xf32, #tpu.memory_space<vmem_shared>> -> memref<524288xf32, #tpu.memory_space<vmem_shared>>
      tpu.wait_indirect_dma semaphore(%run_scoped3A_21 : memref<!tpu.dma_semaphore, #tpu.memory_space<semaphore_mem>>) src(%dma_wait3A_28 : memref<128xf32, #tpu.memory_space<vmem>>) dst(%dma_wait3A_32 : memref<524288xf32, #tpu.memory_space<vmem_shared>>)
      tpu.yield
    }) : () -> ()
    "tpu.region"() ({
      %run_scoped3A_21 = tpu.sem_alloc : memref<!tpu.dma_semaphore, #tpu.memory_space<semaphore_mem>>
      %dma_start3A = arith.constant 768 : i32
      %dma_start3A_22 = tpu.memref_slice %arg6[%dma_start3A] : memref<1024xf32, #tpu.memory_space<vmem>> -> memref<128xf32, #tpu.memory_space<vmem>>
      %dma_start3A_23 = arith.constant 768 : i32
      %dma_start3A_24 = tpu.memref_slice %arg5[%dma_start3A_23] : memref<1024xi32, #tpu.memory_space<vmem>> -> memref<128xi32, #tpu.memory_space<vmem>>
      %dma_start3A_25 = arith.constant 0 : i32
      %dma_start3A_26 = tpu.memref_slice %arg8[%dma_start3A_25] : memref<524288xf32, #tpu.memory_space<vmem_shared>> -> memref<524288xf32, #tpu.memory_space<vmem_shared>>
      %dma_start3A_27 = arith.constant 2147483647 : i32
      tpu.enqueue_indirect_dma source(%dma_start3A_22 : memref<128xf32, #tpu.memory_space<vmem>>) target(%dma_start3A_26 : memref<524288xf32, #tpu.memory_space<vmem_shared>>) offsets(%dma_start3A_24 : memref<128xi32, #tpu.memory_space<vmem>>) offset_filter(%dma_start3A_27) semaphore(%run_scoped3A_21 : memref<!tpu.dma_semaphore, #tpu.memory_space<semaphore_mem>>) {add = true}
      %dma_wait3A = arith.constant 768 : i32
      %dma_wait3A_28 = tpu.memref_slice %arg6[%dma_wait3A] : memref<1024xf32, #tpu.memory_space<vmem>> -> memref<128xf32, #tpu.memory_space<vmem>>
      %dma_wait3A_29 = arith.constant 768 : i32
      %dma_wait3A_30 = tpu.memref_slice %arg5[%dma_wait3A_29] : memref<1024xi32, #tpu.memory_space<vmem>> -> memref<128xi32, #tpu.memory_space<vmem>>
      %dma_wait3A_31 = arith.constant 0 : i32
      %dma_wait3A_32 = tpu.memref_slice %arg8[%dma_wait3A_31] : memref<524288xf32, #tpu.memory_space<vmem_shared>> -> memref<524288xf32, #tpu.memory_space<vmem_shared>>
      tpu.wait_indirect_dma semaphore(%run_scoped3A_21 : memref<!tpu.dma_semaphore, #tpu.memory_space<semaphore_mem>>) src(%dma_wait3A_28 : memref<128xf32, #tpu.memory_space<vmem>>) dst(%dma_wait3A_32 : memref<524288xf32, #tpu.memory_space<vmem_shared>>)
      tpu.yield
    }) : () -> ()
    "tpu.region"() ({
      %run_scoped3A_21 = tpu.sem_alloc : memref<!tpu.dma_semaphore, #tpu.memory_space<semaphore_mem>>
      %dma_start3A = arith.constant 896 : i32
      %dma_start3A_22 = tpu.memref_slice %arg6[%dma_start3A] : memref<1024xf32, #tpu.memory_space<vmem>> -> memref<128xf32, #tpu.memory_space<vmem>>
      %dma_start3A_23 = arith.constant 896 : i32
      %dma_start3A_24 = tpu.memref_slice %arg5[%dma_start3A_23] : memref<1024xi32, #tpu.memory_space<vmem>> -> memref<128xi32, #tpu.memory_space<vmem>>
      %dma_start3A_25 = arith.constant 0 : i32
      %dma_start3A_26 = tpu.memref_slice %arg8[%dma_start3A_25] : memref<524288xf32, #tpu.memory_space<vmem_shared>> -> memref<524288xf32, #tpu.memory_space<vmem_shared>>
      %dma_start3A_27 = arith.constant 2147483647 : i32
      tpu.enqueue_indirect_dma source(%dma_start3A_22 : memref<128xf32, #tpu.memory_space<vmem>>) target(%dma_start3A_26 : memref<524288xf32, #tpu.memory_space<vmem_shared>>) offsets(%dma_start3A_24 : memref<128xi32, #tpu.memory_space<vmem>>) offset_filter(%dma_start3A_27) semaphore(%run_scoped3A_21 : memref<!tpu.dma_semaphore, #tpu.memory_space<semaphore_mem>>) {add = true}
      %dma_wait3A = arith.constant 896 : i32
      %dma_wait3A_28 = tpu.memref_slice %arg6[%dma_wait3A] : memref<1024xf32, #tpu.memory_space<vmem>> -> memref<128xf32, #tpu.memory_space<vmem>>
      %dma_wait3A_29 = arith.constant 896 : i32
      %dma_wait3A_30 = tpu.memref_slice %arg5[%dma_wait3A_29] : memref<1024xi32, #tpu.memory_space<vmem>> -> memref<128xi32, #tpu.memory_space<vmem>>
      %dma_wait3A_31 = arith.constant 0 : i32
      %dma_wait3A_32 = tpu.memref_slice %arg8[%dma_wait3A_31] : memref<524288xf32, #tpu.memory_space<vmem_shared>> -> memref<524288xf32, #tpu.memory_space<vmem_shared>>
      tpu.wait_indirect_dma semaphore(%run_scoped3A_21 : memref<!tpu.dma_semaphore, #tpu.memory_space<semaphore_mem>>) src(%dma_wait3A_28 : memref<128xf32, #tpu.memory_space<vmem>>) dst(%dma_wait3A_32 : memref<524288xf32, #tpu.memory_space<vmem_shared>>)
      tpu.yield
    }) : () -> ()
    %barrier3A_16 = arith.constant 0 : index
    tpu.barrier barrier_id(%barrier3A_16)
    %mul3A_17 = arith.constant 32768 : i32
    %mul3A_18 = arith.muli %arg1, %mul3A_17 : i32
    "tpu.region"() ({
      %run_scoped3A_21 = tpu.sem_alloc : memref<!tpu.dma_semaphore, #tpu.memory_space<semaphore_mem>>
      %dma_start3A = tpu.memref_slice %arg8[%mul3A_18] : memref<524288xf32, #tpu.memory_space<vmem_shared>> -> memref<32768xf32, #tpu.memory_space<vmem_shared>>
      %dma_start3A_22 = tpu.memref_slice %arg8[%mul3A_18] : memref<524288xf32, #tpu.memory_space<vmem_shared>> -> memref<32768xf32, #tpu.memory_space<vmem_shared>>
      tpu.enqueue_dma source(%dma_start3A_22 : memref<32768xf32, #tpu.memory_space<vmem_shared>>) target(%arg7 : memref<32768xf32, #tpu.memory_space<vmem>>) target_semaphore(%run_scoped3A_21 : memref<!tpu.dma_semaphore, #tpu.memory_space<semaphore_mem>>)
      %dma_wait3A = tpu.memref_slice %arg8[%mul3A_18] : memref<524288xf32, #tpu.memory_space<vmem_shared>> -> memref<32768xf32, #tpu.memory_space<vmem_shared>>
      %dma_wait3A_23 = tpu.memref_slice %arg8[%mul3A_18] : memref<524288xf32, #tpu.memory_space<vmem_shared>> -> memref<32768xf32, #tpu.memory_space<vmem_shared>>
      tpu.wait_dma2 semaphore(%run_scoped3A_21 : memref<!tpu.dma_semaphore, #tpu.memory_space<semaphore_mem>>) src(%dma_wait3A_23 : memref<32768xf32, #tpu.memory_space<vmem_shared>>) dst(%arg7 : memref<32768xf32, #tpu.memory_space<vmem>>)
      tpu.yield
    }) : () -> ()
    %mul3A_19 = arith.constant 32768 : i32
    %mul3A_20 = arith.muli %arg1, %mul3A_19 : i32
    %add3A = arith.addi %mul3A_2, %mul3A_20 : i32
    %run_scoped3A = arith.constant 0 : i32
    "tpu.region"() ({
      %run_scoped3A_21 = tpu.sem_alloc : memref<!tpu.dma_semaphore, #tpu.memory_space<semaphore_mem>>
      %dma_start3A = tpu.memref_slice %arg3[%run_scoped3A, %add3A] : memref<1x1048576xf32, #tpu.memory_space<hbm>> -> memref<1x32768xf32, #tpu.memory_space<hbm>>
      %dma_start3A_22 = tpu.memref_squeeze %dma_start3A : memref<1x32768xf32, #tpu.memory_space<hbm>> -> memref<32768xf32, #tpu.memory_space<hbm>>
      %dma_start3A_23 = tpu.memref_slice %arg3[%run_scoped3A, %add3A] : memref<1x1048576xf32, #tpu.memory_space<hbm>> -> memref<1x32768xf32, #tpu.memory_space<hbm>>
      %dma_start3A_24 = tpu.memref_squeeze %dma_start3A_23 : memref<1x32768xf32, #tpu.memory_space<hbm>> -> memref<32768xf32, #tpu.memory_space<hbm>>
      tpu.enqueue_dma source(%arg7 : memref<32768xf32, #tpu.memory_space<vmem>>) target(%dma_start3A_24 : memref<32768xf32, #tpu.memory_space<hbm>>) target_semaphore(%run_scoped3A_21 : memref<!tpu.dma_semaphore, #tpu.memory_space<semaphore_mem>>)
      %dma_wait3A = tpu.memref_slice %arg3[%run_scoped3A, %add3A] : memref<1x1048576xf32, #tpu.memory_space<hbm>> -> memref<1x32768xf32, #tpu.memory_space<hbm>>
      %dma_wait3A_25 = tpu.memref_squeeze %dma_wait3A : memref<1x32768xf32, #tpu.memory_space<hbm>> -> memref<32768xf32, #tpu.memory_space<hbm>>
      %dma_wait3A_26 = tpu.memref_slice %arg3[%run_scoped3A, %add3A] : memref<1x1048576xf32, #tpu.memory_space<hbm>> -> memref<1x32768xf32, #tpu.memory_space<hbm>>
      %dma_wait3A_27 = tpu.memref_squeeze %dma_wait3A_26 : memref<1x32768xf32, #tpu.memory_space<hbm>> -> memref<32768xf32, #tpu.memory_space<hbm>>
      tpu.wait_dma2 semaphore(%run_scoped3A_21 : memref<!tpu.dma_semaphore, #tpu.memory_space<semaphore_mem>>) src(%arg7 : memref<32768xf32, #tpu.memory_space<vmem>>) dst(%dma_wait3A_27 : memref<32768xf32, #tpu.memory_space<hbm>>)
      tpu.yield
    }) : () -> ()
    return
  }
}

module attributes {stable_mosaic.version = 14 : i64} {
  func.func @_acc_body(%arg0: i32, %arg1: memref<64x65536xf32, #tpu.memory_space<vmem>>, %arg2: memref<1x65536xf32, #tpu.memory_space<vmem>>, %arg3: memref<1x64xf32, #tpu.memory_space<vmem>>) attributes {dimension_semantics = [#tpu.dimension_semantics<arbitrary>], iteration_bounds = array<i64: 16>, scalar_prefetch = 0 : i64, scratch_operands = 0 : i64, tpu.core_type = #tpu.core_type<tc>, window_params = [{transform_indices = @transform_0, window_bounds = array<i64: 64, 65536>}, {transform_indices = @transform_1, window_bounds = array<i64: 1, 65536>}, {pipeline_mode = #tpu.pipeline_mode<synchronous>, transform_indices = @transform_2, window_bounds = array<i64: 1, 64>}]} {
    %eq3A = arith.constant 0 : i32
    %eq3A_0 = arith.cmpi eq, %arg0, %eq3A : i32
    %convert_element_type3A = arith.extui %eq3A_0 : i1 to i32
    %cond3A = arith.constant 0 : i32
    %cond3A_1 = arith.cmpi ne, %convert_element_type3A, %cond3A : i32
    scf.if %cond3A_1 {
      %broadcast_in_dim3A_238 = arith.constant 0.000000e+00 : f32
      %broadcast_in_dim3A_239 = vector.broadcast %broadcast_in_dim3A_238 : f32 to vector<1x64xf32>
      %swap3A_240 = arith.constant 0 : index
      %swap3A_241 = arith.constant 0 : index
      %swap3A_242 = vector.load %arg3[%swap3A_240, %swap3A_241] : memref<1x64xf32, #tpu.memory_space<vmem>>, vector<1x64xf32>
      tpu.vector_store %arg3[%swap3A_240, %swap3A_241], %broadcast_in_dim3A_239 {strides = array<i32>} : memref<1x64xf32, #tpu.memory_space<vmem>>, vector<1x64xf32>,
    } else {
    }
    %get3A = arith.constant 0 : index
    %get3A_2 = arith.constant 0 : index
    %get3A_3 = vector.load %arg1[%get3A, %get3A_2] : memref<64x65536xf32, #tpu.memory_space<vmem>>, vector<64x8192xf32>
    %mul3A = arith.mulf %get3A_3, %get3A_3 : vector<64x8192xf32>
    %reduce_sum3A = arith.constant dense<0.000000e+00> : vector<8192xf32>
    %reduce_sum3A_4 = vector.multi_reduction <add>, %mul3A, %reduce_sum3A [0] : vector<64x8192xf32> to vector<8192xf32>
    %broadcast_in_dim3A = vector.shape_cast %reduce_sum3A_4 : vector<8192xf32> to vector<1x8192xf32>
    %get3A_5 = arith.constant 0 : index
    %get3A_6 = arith.constant 8192 : index
    %get3A_7 = vector.load %arg1[%get3A_5, %get3A_6] : memref<64x65536xf32, #tpu.memory_space<vmem>>, vector<64x8192xf32>
    %mul3A_8 = arith.mulf %get3A_7, %get3A_7 : vector<64x8192xf32>
    %reduce_sum3A_9 = arith.constant dense<0.000000e+00> : vector<8192xf32>
    %reduce_sum3A_10 = vector.multi_reduction <add>, %mul3A_8, %reduce_sum3A_9 [0] : vector<64x8192xf32> to vector<8192xf32>
    %broadcast_in_dim3A_11 = vector.shape_cast %reduce_sum3A_10 : vector<8192xf32> to vector<1x8192xf32>
    %get3A_12 = arith.constant 0 : index
    %get3A_13 = arith.constant 16384 : index
    %get3A_14 = vector.load %arg1[%get3A_12, %get3A_13] : memref<64x65536xf32, #tpu.memory_space<vmem>>, vector<64x8192xf32>
    %mul3A_15 = arith.mulf %get3A_14, %get3A_14 : vector<64x8192xf32>
    %reduce_sum3A_16 = arith.constant dense<0.000000e+00> : vector<8192xf32>
    %reduce_sum3A_17 = vector.multi_reduction <add>, %mul3A_15, %reduce_sum3A_16 [0] : vector<64x8192xf32> to vector<8192xf32>
    %broadcast_in_dim3A_18 = vector.shape_cast %reduce_sum3A_17 : vector<8192xf32> to vector<1x8192xf32>
    %get3A_19 = arith.constant 0 : index
    %get3A_20 = arith.constant 24576 : index
    %get3A_21 = vector.load %arg1[%get3A_19, %get3A_20] : memref<64x65536xf32, #tpu.memory_space<vmem>>, vector<64x8192xf32>
    %mul3A_22 = arith.mulf %get3A_21, %get3A_21 : vector<64x8192xf32>
    %reduce_sum3A_23 = arith.constant dense<0.000000e+00> : vector<8192xf32>
    %reduce_sum3A_24 = vector.multi_reduction <add>, %mul3A_22, %reduce_sum3A_23 [0] : vector<64x8192xf32> to vector<8192xf32>
    %broadcast_in_dim3A_25 = vector.shape_cast %reduce_sum3A_24 : vector<8192xf32> to vector<1x8192xf32>
    %get3A_26 = arith.constant 0 : index
    %get3A_27 = arith.constant 32768 : index
    %get3A_28 = vector.load %arg1[%get3A_26, %get3A_27] : memref<64x65536xf32, #tpu.memory_space<vmem>>, vector<64x8192xf32>
    %mul3A_29 = arith.mulf %get3A_28, %get3A_28 : vector<64x8192xf32>
    %reduce_sum3A_30 = arith.constant dense<0.000000e+00> : vector<8192xf32>
    %reduce_sum3A_31 = vector.multi_reduction <add>, %mul3A_29, %reduce_sum3A_30 [0] : vector<64x8192xf32> to vector<8192xf32>
    %broadcast_in_dim3A_32 = vector.shape_cast %reduce_sum3A_31 : vector<8192xf32> to vector<1x8192xf32>
    %get3A_33 = arith.constant 0 : index
    %get3A_34 = arith.constant 40960 : index
    %get3A_35 = vector.load %arg1[%get3A_33, %get3A_34] : memref<64x65536xf32, #tpu.memory_space<vmem>>, vector<64x8192xf32>
    %mul3A_36 = arith.mulf %get3A_35, %get3A_35 : vector<64x8192xf32>
    %reduce_sum3A_37 = arith.constant dense<0.000000e+00> : vector<8192xf32>
    %reduce_sum3A_38 = vector.multi_reduction <add>, %mul3A_36, %reduce_sum3A_37 [0] : vector<64x8192xf32> to vector<8192xf32>
    %broadcast_in_dim3A_39 = vector.shape_cast %reduce_sum3A_38 : vector<8192xf32> to vector<1x8192xf32>
    %get3A_40 = arith.constant 0 : index
    %get3A_41 = arith.constant 49152 : index
    %get3A_42 = vector.load %arg1[%get3A_40, %get3A_41] : memref<64x65536xf32, #tpu.memory_space<vmem>>, vector<64x8192xf32>
    %mul3A_43 = arith.mulf %get3A_42, %get3A_42 : vector<64x8192xf32>
    %reduce_sum3A_44 = arith.constant dense<0.000000e+00> : vector<8192xf32>
    %reduce_sum3A_45 = vector.multi_reduction <add>, %mul3A_43, %reduce_sum3A_44 [0] : vector<64x8192xf32> to vector<8192xf32>
    %broadcast_in_dim3A_46 = vector.shape_cast %reduce_sum3A_45 : vector<8192xf32> to vector<1x8192xf32>
    %get3A_47 = arith.constant 0 : index
    %get3A_48 = arith.constant 57344 : index
    %get3A_49 = vector.load %arg1[%get3A_47, %get3A_48] : memref<64x65536xf32, #tpu.memory_space<vmem>>, vector<64x8192xf32>
    %mul3A_50 = arith.mulf %get3A_49, %get3A_49 : vector<64x8192xf32>
    %reduce_sum3A_51 = arith.constant dense<0.000000e+00> : vector<8192xf32>
    %reduce_sum3A_52 = vector.multi_reduction <add>, %mul3A_50, %reduce_sum3A_51 [0] : vector<64x8192xf32> to vector<8192xf32>
    %broadcast_in_dim3A_53 = vector.shape_cast %reduce_sum3A_52 : vector<8192xf32> to vector<1x8192xf32>
    %broadcast_in_dim3A_54 = arith.constant 0.000000e+00 : f32
    %broadcast_in_dim3A_55 = vector.broadcast %broadcast_in_dim3A_54 : f32 to vector<1x64xf32>
    %get3A_56 = arith.constant 0 : index
    %get3A_57 = arith.constant 0 : index
    %get3A_58 = vector.load %arg2[%get3A_56, %get3A_57] : memref<1x65536xf32, #tpu.memory_space<vmem>>, vector<1x8192xf32>
    %gt3A = arith.constant 0.000000e+00 : f32
    %gt3A_59 = vector.broadcast %gt3A : f32 to vector<1x8192xf32>
    %gt3A_60 = arith.cmpf ogt, %get3A_58, %gt3A_59 : vector<1x8192xf32>
    %max3A = arith.constant 1.000000e-30 : f32
    %max3A_61 = vector.broadcast %max3A : f32 to vector<1x8192xf32>
    %max3A_62 = arith.maximumf %broadcast_in_dim3A, %max3A_61 : vector<1x8192xf32>
    %sqrt3A = math.sqrt %max3A_62 : vector<1x8192xf32>
    %div3A = arith.divf %get3A_58, %sqrt3A : vector<1x8192xf32>
    %jit3A = arith.constant 0.000000e+00 : f32
    %broadcast_in_dim3A_63 = vector.broadcast %jit3A : f32 to vector<1x8192xf32>
    %select_n3A = arith.select %gt3A_60, %div3A, %broadcast_in_dim3A_63 : vector<1x8192xi1>, vector<1x8192xf32>
    %get3A_64 = arith.constant 0 : index
    %get3A_65 = arith.constant 0 : index
    %get3A_66 = vector.load %arg1[%get3A_64, %get3A_65] : memref<64x65536xf32, #tpu.memory_space<vmem>>, vector<64x8192xf32>
    %mul3A_67 = vector.broadcast %select_n3A : vector<1x8192xf32> to vector<64x8192xf32>
    %mul3A_68 = arith.mulf %get3A_66, %mul3A_67 : vector<64x8192xf32>
    %reduce_sum3A_69 = arith.constant dense<0.000000e+00> : vector<64xf32>
    %reduce_sum3A_70 = vector.multi_reduction <add>, %mul3A_68, %reduce_sum3A_69 [1] : vector<64x8192xf32> to vector<64xf32>
    %reshape3A = vector.shape_cast %reduce_sum3A_70 : vector<64xf32> to vector<1x64xf32>
    %add3A = arith.addf %broadcast_in_dim3A_55, %reshape3A : vector<1x64xf32>
    %get3A_71 = arith.constant 0 : index
    %get3A_72 = arith.constant 8192 : index
    %get3A_73 = vector.load %arg2[%get3A_71, %get3A_72] : memref<1x65536xf32, #tpu.memory_space<vmem>>, vector<1x8192xf32>
    %gt3A_74 = arith.constant 0.000000e+00 : f32
    %gt3A_75 = vector.broadcast %gt3A_74 : f32 to vector<1x8192xf32>
    %gt3A_76 = arith.cmpf ogt, %get3A_73, %gt3A_75 : vector<1x8192xf32>
    %max3A_77 = arith.constant 1.000000e-30 : f32
    %max3A_78 = vector.broadcast %max3A_77 : f32 to vector<1x8192xf32>
    %max3A_79 = arith.maximumf %broadcast_in_dim3A_11, %max3A_78 : vector<1x8192xf32>
    %sqrt3A_80 = math.sqrt %max3A_79 : vector<1x8192xf32>
    %div3A_81 = arith.divf %get3A_73, %sqrt3A_80 : vector<1x8192xf32>
    %jit3A_82 = arith.constant 0.000000e+00 : f32
    %broadcast_in_dim3A_83 = vector.broadcast %jit3A_82 : f32 to vector<1x8192xf32>
    %select_n3A_84 = arith.select %gt3A_76, %div3A_81, %broadcast_in_dim3A_83 : vector<1x8192xi1>, vector<1x8192xf32>
    %get3A_85 = arith.constant 0 : index
    %get3A_86 = arith.constant 8192 : index
    %get3A_87 = vector.load %arg1[%get3A_85, %get3A_86] : memref<64x65536xf32, #tpu.memory_space<vmem>>, vector<64x8192xf32>
    %mul3A_88 = vector.broadcast %select_n3A_84 : vector<1x8192xf32> to vector<64x8192xf32>
    %mul3A_89 = arith.mulf %get3A_87, %mul3A_88 : vector<64x8192xf32>
    %reduce_sum3A_90 = arith.constant dense<0.000000e+00> : vector<64xf32>
    %reduce_sum3A_91 = vector.multi_reduction <add>, %mul3A_89, %reduce_sum3A_90 [1] : vector<64x8192xf32> to vector<64xf32>
    %reshape3A_92 = vector.shape_cast %reduce_sum3A_91 : vector<64xf32> to vector<1x64xf32>
    %add3A_93 = arith.addf %add3A, %reshape3A_92 : vector<1x64xf32>
    %get3A_94 = arith.constant 0 : index
    %get3A_95 = arith.constant 16384 : index
    %get3A_96 = vector.load %arg2[%get3A_94, %get3A_95] : memref<1x65536xf32, #tpu.memory_space<vmem>>, vector<1x8192xf32>
    %gt3A_97 = arith.constant 0.000000e+00 : f32
    %gt3A_98 = vector.broadcast %gt3A_97 : f32 to vector<1x8192xf32>
    %gt3A_99 = arith.cmpf ogt, %get3A_96, %gt3A_98 : vector<1x8192xf32>
    %max3A_100 = arith.constant 1.000000e-30 : f32
    %max3A_101 = vector.broadcast %max3A_100 : f32 to vector<1x8192xf32>
    %max3A_102 = arith.maximumf %broadcast_in_dim3A_18, %max3A_101 : vector<1x8192xf32>
    %sqrt3A_103 = math.sqrt %max3A_102 : vector<1x8192xf32>
    %div3A_104 = arith.divf %get3A_96, %sqrt3A_103 : vector<1x8192xf32>
    %jit3A_105 = arith.constant 0.000000e+00 : f32
    %broadcast_in_dim3A_106 = vector.broadcast %jit3A_105 : f32 to vector<1x8192xf32>
    %select_n3A_107 = arith.select %gt3A_99, %div3A_104, %broadcast_in_dim3A_106 : vector<1x8192xi1>, vector<1x8192xf32>
    %get3A_108 = arith.constant 0 : index
    %get3A_109 = arith.constant 16384 : index
    %get3A_110 = vector.load %arg1[%get3A_108, %get3A_109] : memref<64x65536xf32, #tpu.memory_space<vmem>>, vector<64x8192xf32>
    %mul3A_111 = vector.broadcast %select_n3A_107 : vector<1x8192xf32> to vector<64x8192xf32>
    %mul3A_112 = arith.mulf %get3A_110, %mul3A_111 : vector<64x8192xf32>
    %reduce_sum3A_113 = arith.constant dense<0.000000e+00> : vector<64xf32>
    %reduce_sum3A_114 = vector.multi_reduction <add>, %mul3A_112, %reduce_sum3A_113 [1] : vector<64x8192xf32> to vector<64xf32>
    %reshape3A_115 = vector.shape_cast %reduce_sum3A_114 : vector<64xf32> to vector<1x64xf32>
    %add3A_116 = arith.addf %add3A_93, %reshape3A_115 : vector<1x64xf32>
    %get3A_117 = arith.constant 0 : index
    %get3A_118 = arith.constant 24576 : index
    %get3A_119 = vector.load %arg2[%get3A_117, %get3A_118] : memref<1x65536xf32, #tpu.memory_space<vmem>>, vector<1x8192xf32>
    %gt3A_120 = arith.constant 0.000000e+00 : f32
    %gt3A_121 = vector.broadcast %gt3A_120 : f32 to vector<1x8192xf32>
    %gt3A_122 = arith.cmpf ogt, %get3A_119, %gt3A_121 : vector<1x8192xf32>
    %max3A_123 = arith.constant 1.000000e-30 : f32
    %max3A_124 = vector.broadcast %max3A_123 : f32 to vector<1x8192xf32>
    %max3A_125 = arith.maximumf %broadcast_in_dim3A_25, %max3A_124 : vector<1x8192xf32>
    %sqrt3A_126 = math.sqrt %max3A_125 : vector<1x8192xf32>
    %div3A_127 = arith.divf %get3A_119, %sqrt3A_126 : vector<1x8192xf32>
    %jit3A_128 = arith.constant 0.000000e+00 : f32
    %broadcast_in_dim3A_129 = vector.broadcast %jit3A_128 : f32 to vector<1x8192xf32>
    %select_n3A_130 = arith.select %gt3A_122, %div3A_127, %broadcast_in_dim3A_129 : vector<1x8192xi1>, vector<1x8192xf32>
    %get3A_131 = arith.constant 0 : index
    %get3A_132 = arith.constant 24576 : index
    %get3A_133 = vector.load %arg1[%get3A_131, %get3A_132] : memref<64x65536xf32, #tpu.memory_space<vmem>>, vector<64x8192xf32>
    %mul3A_134 = vector.broadcast %select_n3A_130 : vector<1x8192xf32> to vector<64x8192xf32>
    %mul3A_135 = arith.mulf %get3A_133, %mul3A_134 : vector<64x8192xf32>
    %reduce_sum3A_136 = arith.constant dense<0.000000e+00> : vector<64xf32>
    %reduce_sum3A_137 = vector.multi_reduction <add>, %mul3A_135, %reduce_sum3A_136 [1] : vector<64x8192xf32> to vector<64xf32>
    %reshape3A_138 = vector.shape_cast %reduce_sum3A_137 : vector<64xf32> to vector<1x64xf32>
    %add3A_139 = arith.addf %add3A_116, %reshape3A_138 : vector<1x64xf32>
    %get3A_140 = arith.constant 0 : index
    %get3A_141 = arith.constant 32768 : index
    %get3A_142 = vector.load %arg2[%get3A_140, %get3A_141] : memref<1x65536xf32, #tpu.memory_space<vmem>>, vector<1x8192xf32>
    %gt3A_143 = arith.constant 0.000000e+00 : f32
    %gt3A_144 = vector.broadcast %gt3A_143 : f32 to vector<1x8192xf32>
    %gt3A_145 = arith.cmpf ogt, %get3A_142, %gt3A_144 : vector<1x8192xf32>
    %max3A_146 = arith.constant 1.000000e-30 : f32
    %max3A_147 = vector.broadcast %max3A_146 : f32 to vector<1x8192xf32>
    %max3A_148 = arith.maximumf %broadcast_in_dim3A_32, %max3A_147 : vector<1x8192xf32>
    %sqrt3A_149 = math.sqrt %max3A_148 : vector<1x8192xf32>
    %div3A_150 = arith.divf %get3A_142, %sqrt3A_149 : vector<1x8192xf32>
    %jit3A_151 = arith.constant 0.000000e+00 : f32
    %broadcast_in_dim3A_152 = vector.broadcast %jit3A_151 : f32 to vector<1x8192xf32>
    %select_n3A_153 = arith.select %gt3A_145, %div3A_150, %broadcast_in_dim3A_152 : vector<1x8192xi1>, vector<1x8192xf32>
    %get3A_154 = arith.constant 0 : index
    %get3A_155 = arith.constant 32768 : index
    %get3A_156 = vector.load %arg1[%get3A_154, %get3A_155] : memref<64x65536xf32, #tpu.memory_space<vmem>>, vector<64x8192xf32>
    %mul3A_157 = vector.broadcast %select_n3A_153 : vector<1x8192xf32> to vector<64x8192xf32>
    %mul3A_158 = arith.mulf %get3A_156, %mul3A_157 : vector<64x8192xf32>
    %reduce_sum3A_159 = arith.constant dense<0.000000e+00> : vector<64xf32>
    %reduce_sum3A_160 = vector.multi_reduction <add>, %mul3A_158, %reduce_sum3A_159 [1] : vector<64x8192xf32> to vector<64xf32>
    %reshape3A_161 = vector.shape_cast %reduce_sum3A_160 : vector<64xf32> to vector<1x64xf32>
    %add3A_162 = arith.addf %add3A_139, %reshape3A_161 : vector<1x64xf32>
    %get3A_163 = arith.constant 0 : index
    %get3A_164 = arith.constant 40960 : index
    %get3A_165 = vector.load %arg2[%get3A_163, %get3A_164] : memref<1x65536xf32, #tpu.memory_space<vmem>>, vector<1x8192xf32>
    %gt3A_166 = arith.constant 0.000000e+00 : f32
    %gt3A_167 = vector.broadcast %gt3A_166 : f32 to vector<1x8192xf32>
    %gt3A_168 = arith.cmpf ogt, %get3A_165, %gt3A_167 : vector<1x8192xf32>
    %max3A_169 = arith.constant 1.000000e-30 : f32
    %max3A_170 = vector.broadcast %max3A_169 : f32 to vector<1x8192xf32>
    %max3A_171 = arith.maximumf %broadcast_in_dim3A_39, %max3A_170 : vector<1x8192xf32>
    %sqrt3A_172 = math.sqrt %max3A_171 : vector<1x8192xf32>
    %div3A_173 = arith.divf %get3A_165, %sqrt3A_172 : vector<1x8192xf32>
    %jit3A_174 = arith.constant 0.000000e+00 : f32
    %broadcast_in_dim3A_175 = vector.broadcast %jit3A_174 : f32 to vector<1x8192xf32>
    %select_n3A_176 = arith.select %gt3A_168, %div3A_173, %broadcast_in_dim3A_175 : vector<1x8192xi1>, vector<1x8192xf32>
    %get3A_177 = arith.constant 0 : index
    %get3A_178 = arith.constant 40960 : index
    %get3A_179 = vector.load %arg1[%get3A_177, %get3A_178] : memref<64x65536xf32, #tpu.memory_space<vmem>>, vector<64x8192xf32>
    %mul3A_180 = vector.broadcast %select_n3A_176 : vector<1x8192xf32> to vector<64x8192xf32>
    %mul3A_181 = arith.mulf %get3A_179, %mul3A_180 : vector<64x8192xf32>
    %reduce_sum3A_182 = arith.constant dense<0.000000e+00> : vector<64xf32>
    %reduce_sum3A_183 = vector.multi_reduction <add>, %mul3A_181, %reduce_sum3A_182 [1] : vector<64x8192xf32> to vector<64xf32>
    %reshape3A_184 = vector.shape_cast %reduce_sum3A_183 : vector<64xf32> to vector<1x64xf32>
    %add3A_185 = arith.addf %add3A_162, %reshape3A_184 : vector<1x64xf32>
    %get3A_186 = arith.constant 0 : index
    %get3A_187 = arith.constant 49152 : index
    %get3A_188 = vector.load %arg2[%get3A_186, %get3A_187] : memref<1x65536xf32, #tpu.memory_space<vmem>>, vector<1x8192xf32>
    %gt3A_189 = arith.constant 0.000000e+00 : f32
    %gt3A_190 = vector.broadcast %gt3A_189 : f32 to vector<1x8192xf32>
    %gt3A_191 = arith.cmpf ogt, %get3A_188, %gt3A_190 : vector<1x8192xf32>
    %max3A_192 = arith.constant 1.000000e-30 : f32
    %max3A_193 = vector.broadcast %max3A_192 : f32 to vector<1x8192xf32>
    %max3A_194 = arith.maximumf %broadcast_in_dim3A_46, %max3A_193 : vector<1x8192xf32>
    %sqrt3A_195 = math.sqrt %max3A_194 : vector<1x8192xf32>
    %div3A_196 = arith.divf %get3A_188, %sqrt3A_195 : vector<1x8192xf32>
    %jit3A_197 = arith.constant 0.000000e+00 : f32
    %broadcast_in_dim3A_198 = vector.broadcast %jit3A_197 : f32 to vector<1x8192xf32>
    %select_n3A_199 = arith.select %gt3A_191, %div3A_196, %broadcast_in_dim3A_198 : vector<1x8192xi1>, vector<1x8192xf32>
    %get3A_200 = arith.constant 0 : index
    %get3A_201 = arith.constant 49152 : index
    %get3A_202 = vector.load %arg1[%get3A_200, %get3A_201] : memref<64x65536xf32, #tpu.memory_space<vmem>>, vector<64x8192xf32>
    %mul3A_203 = vector.broadcast %select_n3A_199 : vector<1x8192xf32> to vector<64x8192xf32>
    %mul3A_204 = arith.mulf %get3A_202, %mul3A_203 : vector<64x8192xf32>
    %reduce_sum3A_205 = arith.constant dense<0.000000e+00> : vector<64xf32>
    %reduce_sum3A_206 = vector.multi_reduction <add>, %mul3A_204, %reduce_sum3A_205 [1] : vector<64x8192xf32> to vector<64xf32>
    %reshape3A_207 = vector.shape_cast %reduce_sum3A_206 : vector<64xf32> to vector<1x64xf32>
    %add3A_208 = arith.addf %add3A_185, %reshape3A_207 : vector<1x64xf32>
    %get3A_209 = arith.constant 0 : index
    %get3A_210 = arith.constant 57344 : index
    %get3A_211 = vector.load %arg2[%get3A_209, %get3A_210] : memref<1x65536xf32, #tpu.memory_space<vmem>>, vector<1x8192xf32>
    %gt3A_212 = arith.constant 0.000000e+00 : f32
    %gt3A_213 = vector.broadcast %gt3A_212 : f32 to vector<1x8192xf32>
    %gt3A_214 = arith.cmpf ogt, %get3A_211, %gt3A_213 : vector<1x8192xf32>
    %max3A_215 = arith.constant 1.000000e-30 : f32
    %max3A_216 = vector.broadcast %max3A_215 : f32 to vector<1x8192xf32>
    %max3A_217 = arith.maximumf %broadcast_in_dim3A_53, %max3A_216 : vector<1x8192xf32>
    %sqrt3A_218 = math.sqrt %max3A_217 : vector<1x8192xf32>
    %div3A_219 = arith.divf %get3A_211, %sqrt3A_218 : vector<1x8192xf32>
    %jit3A_220 = arith.constant 0.000000e+00 : f32
    %broadcast_in_dim3A_221 = vector.broadcast %jit3A_220 : f32 to vector<1x8192xf32>
    %select_n3A_222 = arith.select %gt3A_214, %div3A_219, %broadcast_in_dim3A_221 : vector<1x8192xi1>, vector<1x8192xf32>
    %get3A_223 = arith.constant 0 : index
    %get3A_224 = arith.constant 57344 : index
    %get3A_225 = vector.load %arg1[%get3A_223, %get3A_224] : memref<64x65536xf32, #tpu.memory_space<vmem>>, vector<64x8192xf32>
    %mul3A_226 = vector.broadcast %select_n3A_222 : vector<1x8192xf32> to vector<64x8192xf32>
    %mul3A_227 = arith.mulf %get3A_225, %mul3A_226 : vector<64x8192xf32>
    %reduce_sum3A_228 = arith.constant dense<0.000000e+00> : vector<64xf32>
    %reduce_sum3A_229 = vector.multi_reduction <add>, %mul3A_227, %reduce_sum3A_228 [1] : vector<64x8192xf32> to vector<64xf32>
    %reshape3A_230 = vector.shape_cast %reduce_sum3A_229 : vector<64xf32> to vector<1x64xf32>
    %add3A_231 = arith.addf %add3A_208, %reshape3A_230 : vector<1x64xf32>
    %get3A_232 = arith.constant 0 : index
    %get3A_233 = arith.constant 0 : index
    %get3A_234 = vector.load %arg3[%get3A_232, %get3A_233] : memref<1x64xf32, #tpu.memory_space<vmem>>, vector<1x64xf32>
    %add3A_235 = arith.addf %get3A_234, %add3A_231 : vector<1x64xf32>
    %swap3A = arith.constant 0 : index
    %swap3A_236 = arith.constant 0 : index
    %swap3A_237 = vector.load %arg3[%swap3A, %swap3A_236] : memref<1x64xf32, #tpu.memory_space<vmem>>, vector<1x64xf32>
    tpu.vector_store %arg3[%swap3A, %swap3A_236], %add3A_235 {strides = array<i32>} : memref<1x64xf32, #tpu.memory_space<vmem>>, vector<1x64xf32>,
    return
  }
  func.func @transform_0(%arg0: i32) -> (i32, i32) {
    %c0_i32 = arith.constant 0 : i32
    %c0_i32_0 = arith.constant 0 : i32
    return %c0_i32, %arg0 : i32, i32
  }
  func.func @transform_1(%arg0: i32) -> (i32, i32) {
    %c0_i32 = arith.constant 0 : i32
    %c0_i32_0 = arith.constant 0 : i32
    return %c0_i32, %arg0 : i32, i32
  }
  func.func @transform_2(%arg0: i32) -> (i32, i32) {
    %c0_i32 = arith.constant 0 : i32
    %c0_i32_0 = arith.constant 0 : i32
    %c0_i32_1 = arith.constant 0 : i32
    return %c0_i32, %c0_i32_0 : i32, i32
  }
}

</mosaic_0001>

<sc_bundles>
// kernel: kernel.4.cloned.1.call-start
scs
__scs_entry_jumppad:
0x0: {  	(pc) =	sbr.rel $0x88, $3  }
0x1: {  	(tag) =	ssettag $0x0;
	lr =	simm.s32 $0x1  }
0x2: {  	[smem:$0x3F9F] =	sst lr;
	_ =	strace $0xD0000000  }
0x3: {  	_ = 	snop  }
0x4: {  	_ = 	snop  }
0x5: {  	_ = 	snop  }
0x6: {  	_ = 	snop  }
0x7: {  	_ = 	snop  }
__scs_overlays_trampoline_lowered:
0x8: {  	[smem:$0x3FAE] =	sst s0  }
0x9: {  	[smem:$0x3FAF] =	sst s1  }
0xa: {  	[smem:$0x3FB0] =	sst s2  }
0xb: {  	[smem:$0x3FB1] =	sst s3  }
0xc: {  	[smem:$0x3FB2] =	sst s4  }
0xd: {  	[smem:$0x3FB3] =	sst s5  }
0xe: {  	[smem:$0x3FB4] =	sst s6  }
0xf: {  	[smem:$0x3FB5] =	sst s7  }
0x10: {  	[smem:$0x3FB6] =	sst s8  }
0x11: {  	[smem:$0x3FB7] =	sst s9;
	s0 =	simm.s32 @!p0 $0x0  }
0x12: {  	s1 =	sld [smem:$0x3F9D];
	s0 =	simm.s32 @p0 $0x1  }
0x13: {  	[smem:$0x3FB8] =	sst s0;
	s0 =	simm.s32 @!p1 $0x0  }
0x14: {  	s2 =	sld [smem:$0x3F9C];
	s0 =	simm.s32 @p1 $0x1  }
0x15: {  	[smem:$0x3FB9] =	sst s0;
	s0 =	simm.s32 @!p2 $0x0  }
0x16: {  	s3 =	sld [smem:$0x3FDB];
	s0 =	simm.s32 @p2 $0x1  }
0x17: {  	s4 =	simm.s32 $0x1BF5;
	[smem:$0x3FBB] =	sst s0  }
0x18: {  	s0 =	sld [smem:$0x3F9E];
	_ =	swait.ge [sflag:s4], $0x0  }
0x19: {  	s7 =	sld [smem:$0x3F9F]  }
0x1a: {  	s8 =	sadd.s32 $0xFFFFE003, lr  }
0x1b: {  	s9 =	sadd.s32 $0xFFFFFEF7, lr;
	s5 =	simm.s32 $0xFFFFFFFF;
	p2 =	slt.u32 s8, $0xFFFFF086  }
0x1c: {  	p1 =	slt.u32 s9, $0xF7A;
	s5 =	simm.s32 @!p2 $0x0  }
0x1d: {  	s5 =	simm.s32 @p1 $0x1;
	p0 =	seq.s32 s7, s2  }
0x1e: {  	s7 =	smul.u32 @!p0 $0xF7A, s2;
	p2 =	seq.s32 @!p0 s5, $0x0  }
0x1f: {  	s9 =	smul.u32 $0xF7A, s1;
	s8 =	simm.s32 @!p0 $0x1BF5;
	p2 =	por !p2, p0  }
0x20: {  	[sflag:s8] =	ssyncset.s32 @!p0 $0xFFFFF086;
	s6 =	sadd.s32 @!p0 s3, s7;
	s7 =	simm.s32 @!p0 $0x108  }
0x21: {  	s3 =	sadd.s32 s3, s9;
	s6 =	sadd.s32 @!p0 $0x88, s6;
	s7 =	simm.s32 @p2 $0x1082  }
0x22: {  	[simem:s7], [sflag:s8] =	dma.local @!p0 [hbm:s6], $0xF7A  }
0x23: {  	s9 =	sor.u32 $0xD0000000, s2;
	s6 =	simm.s32 $0x108;
	_ =	swait.ge @!p0 [sflag:s8], $0x0  }
0x24: {  	s3 =	sadd.s32 $0x88, s3;
	s6 =	simm.s32 @!p1 $0x1082;
	[sflag:s4] =	ssyncset.s32 $0xFFFFF086  }
0x25: {  	[simem:s6], [sflag:s4] =	dma.local [hbm:s3], $0xF7A  }
0x26: {  	[smem:$0x3F9F] =	sst s1;
	(tag) =	ssettag s2;
	_ =	strace s9  }
0x27: {  	s1 =	sld [smem:$0x3FAF]  }
0x28: {  	s2 =	sld [smem:$0x3FB0]  }
0x29: {  	s4 =	sld [smem:$0x3FB2]  }
0x2a: {  	p0 =	seq.s32 s5, $0x0;
	s5 =	sld [smem:$0x3FB3]  }
0x2b: {  	s6 =	sld [smem:$0x3FB4]  }
0x2c: {  	s7 =	sld [smem:$0x3FB5]  }
0x2d: {  	s3 =	simm.s32 $0x108;
	s8 =	sld [smem:$0x3FB6]  }
0x2e: {  	s3 =	simm.s32 @!p0 $0x1082;
	s9 =	sld [smem:$0x3FB7]  }
0x2f: {  	lr =	sadd.s32 s0, s3;
	s0 =	sld [smem:$0x3FAE]  }
0x30: {  	s3 =	sld [smem:$0x3FB1]  }
0x31: {  	[smem:$0x3FBA] =	sst s10  }
0x32: {  	s10 =	sld [smem:$0x3FB8];
	_ =	sdelay $0x3  }
0x33: {  	p0 =	seq.s32 s10, $0x1;
	s10 =	sld [smem:$0x3FBA];
	_ =	sdelay $0x3  }
0x34: {  	[smem:$0x3FBA] =	sst s10  }
0x35: {  	s10 =	sld [smem:$0x3FB9];
	_ =	sdelay $0x3  }
0x36: {  	p1 =	seq.s32 s10, $0x1;
	s10 =	sld [smem:$0x3FBA];
	_ =	sdelay $0x3  }
0x37: {  	[smem:$0x3FBA] =	sst s10  }
0x38: {  	s10 =	sld [smem:$0x3FBB]  }
0x39: {  	_ = 	snop;
	(pc) =	sbr.ind lr, $3  }
0x3a: {  	_ = 	snop  }
0x3b: {  	_ = 	snop  }
0x3c: {  	p2 =	seq.s32 s10, $0x1;
	s10 =	sld [smem:$0x3FBA]  }
0x3d: {  	_ =	shalt  }
0x3e: {  	_ =	shalt  }
0x3f: {  	_ =	shalt  }
0x40: {  	_ =	shalt  }
0x41: {  	_ =	shalt  }
0x42: {  	_ =	shalt  }
0x43: {  	_ =	shalt  }
0x44: {  	_ =	shalt  }
0x45: {  	_ =	shalt  }
0x46: {  	_ =	shalt  }
0x47: {  	_ =	shalt  }
0x48: {  	_ =	shalt  }
0x49: {  	_ =	shalt  }
0x4a: {  	_ =	shalt  }
0x4b: {  	_ =	shalt  }
0x4c: {  	_ =	shalt  }
0x4d: {  	_ =	shalt  }
0x4e: {  	_ =	shalt  }
0x4f: {  	_ =	shalt  }
0x50: {  	_ =	shalt  }
0x51: {  	_ =	shalt  }
0x52: {  	_ =	shalt  }
0x53: {  	_ =	shalt  }
0x54: {  	_ =	shalt  }
0x55: {  	_ =	shalt  }
0x56: {  	_ =	shalt  }
0x57: {  	_ =	shalt  }
0x58: {  	_ =	shalt  }
0x59: {  	_ =	shalt  }
0x5a: {  	_ =	shalt  }
0x5b: {  	_ =	shalt  }
0x5c: {  	_ =	shalt  }
0x5d: {  	_ =	shalt  }
0x5e: {  	_ =	shalt  }
0x5f: {  	_ =	shalt  }
0x60: {  	_ =	shalt  }
0x61: {  	_ =	shalt  }
0x62: {  	_ =	shalt  }
0x63: {  	_ =	shalt  }
0x64: {  	_ =	shalt  }
0x65: {  	_ =	shalt  }
0x66: {  	_ =	shalt  }
0x67: {  	_ =	shalt  }
0x68: {  	_ =	shalt  }
0x69: {  	_ =	shalt  }
0x6a: {  	_ =	shalt  }
0x6b: {  	_ =	shalt  }
0x6c: {  	_ =	shalt  }
0x6d: {  	_ =	shalt  }
0x6e: {  	_ =	shalt  }
0x6f: {  	_ =	shalt  }
0x70: {  	_ =	shalt  }
0x71: {  	_ =	shalt  }
0x72: {  	_ =	shalt  }
0x73: {  	_ =	shalt  }
0x74: {  	_ =	shalt  }
0x75: {  	_ =	shalt  }
0x76: {  	_ =	shalt  }
0x77: {  	_ =	shalt  }
0x78: {  	_ =	shalt  }
0x79: {  	_ =	shalt  }
0x7a: {  	_ =	shalt  }
0x7b: {  	_ =	shalt  }
0x7c: {  	_ =	shalt  }
0x7d: {  	_ =	shalt  }
0x7e: {  	_ =	shalt  }
0x7f: {  	_ =	shalt  }
0x80: {  	_ =	shalt  }
0x81: {  	_ =	shalt  }
0x82: {  	_ =	shalt  }
0x83: {  	_ =	shalt  }
0x84: {  	_ =	shalt  }
0x85: {  	_ =	shalt  }
0x86: {  	_ =	shalt  }
0x87: {  	_ =	shalt  }
.Lfunc_end0:
.L_simem_size_0:
called_computation_lowered:
.L_overlay_start_0:
0x88: {  	s2 =	sld [smem:$0x3FD9]  }
0x89: {  	s3 =	sld [smem:$0x3FFE];
	_ =	sdelay $0x1  }
0x8a: {  	s1 =	srdreg.scid  }
0x8b: {  	s0 =	sand.u32 $0x1, s1  }
0x8c: {  	s17 =	sshll.u32 s0, $0xA;
	s2 =	sadd.s32 s3, s2  }
0x8d: {  	s2 =	sadd.s32 s2, s17  }
0x8e: {  	[smem:$0x3FC6] =	sst s2  }
0x8f: {  	_ = 	snop  }
0x90: {  	s2 =	sld [smem:$0x3FC9];
	(tm) =	ssettm $0x1  }
0x91: {  	s18 =	sld [smem:$0x3FFB];
	_ =	sdelay $0x3  }
0x92: {  	_ =	strace s18  }
0x93: {  	s3 =	sld [smem:$0x3FFC];
	_ =	sdelay $0x3  }
0x94: {  	_ =	strace s3  }
0x95: {  	s3 =	sld [smem:$0x3FFD];
	_ =	sdelay $0x3  }
0x96: {  	_ =	strace s3  }
0x97: {  	_ =	strace $0x8FFFFFFF  }
0x98: {  	s19 =	sld [smem:$0x3FDB];
	_ =	sdelay $0x1  }
0x99: {  	s4 =	simm.s32 $_scs_section_size  }
0x9a: {  	s5 =	simm.s32 $_size__tile_overlayer_lowered;
	s6 =	simm.s32 $_tile_overlayer_lowered  }
0x9b: {  	s22 =	simm.s32 $0x1BFF;
	s21 =	sshll.u32 s6, $0x1;
	s3 =	sadd.s32 s4, s19  }
0x9c: {  	s7 =	simm.s32 $0x0;
	s20 =	sshll.u32 s5, $0x1;
	s5 =	sadd.s32 s21, s3  }
0x9d: {  	[timem:s7], [sflag:s22] =	dma.local [hbm:s5], s20  }
0x9e: {  	_ =	swait.ge [sflag:s22], s20  }
0x9f: {  	s4 =	ssub.s32 $0x0, s20;
	[sflag:s22] =	ssyncset.done $0x0  }
0xa0: {  	[sflag:s22] =	ssyncadd.s32 s4;
	_ =	sdelay $0x1  }
0xa1: {  	s23 =	simm.s32 $0x1B8B  }
0xa2: {  	_ =	swait.ge [sflag:s23], $0x1  }
0xa3: {  	[sflag:s23] =	ssyncset.done $0x0  }
0xa4: {  	s25 =	simm.s32 $0x1B8E;
	s24 =	sld [smem:$0x3FFE];
	[sflag:s23] =	ssyncadd.s32 $0xFFFFFFFF  }
0xa5: {  	s26 =	simm.s32 $execute0_lowered;
	[smem:$0x3FD2] =	sst s25  }
0xa6: {  	s5 =	sshll.u32 s26, $0x1;
	_ =	strace $0x80000046;
	[dreg:$0x1] =	wrdreg $0xFFFFFFFF  }
0xa7: {  	s28 =	simm.s32 $_size_execute0_lowered;
	s3 =	sadd.s32 s3, s5;
	[dreg:$0x0] =	wrdreg $0x0  }
0xa8: {  	s5 =	sshll.u32 s28, $0x1;
	[dreg:$0x2] =	wrdreg s3  }
0xa9: {  	[dreg:$0x3] =	wrdreg s5  }
0xaa: {  	[dreg:$0x4] =	wrdreg $0xC0  }
0xab: {  	_ =	task [dreg:s7], $0x5FFFF  }
0xac: {  	[dreg:$0x1] =	wrdreg $0xFFFFFFFF  }
0xad: {  	[dreg:$0x0] =	wrdreg $0x60  }
0xae: {  	[dreg:$0x2] =	wrdreg s2  }
0xaf: {  	[dreg:$0x3] =	wrdreg s24  }
0xb0: {  	[dreg:$0x4] =	wrdreg $0x8C000  }
0xb1: {  	[dreg:$0x5] =	wrdreg $0x9  }
0xb2: {  	_ =	task.clear_ibuf [dreg:s7], $0x6FFFF;
	_ =	strace $0x90000046  }
0xb3: {  	s29 =	simm.s32 $0x9;
	_ =	strace $0x80000048  }
0xb4: {  	_ =	swait.ge [sflag:s29], $0x1  }
0xb5: {  	[sflag:s29] =	ssyncadd.s32 $0xFFFFFFFF  }
0xb6: {  	_ =	strace $0x90000048  }
0xb7: {  	_ =	sfence  }
0xb8: {  	s30 =	sld [smem:$0x0];
	_ =	sdelay $0x2  }
0xb9: {  	s31 =	sshll.u32 s1, $0xD;
	s1 =	sshrl.u32 s1, $0x2  }
0xba: {  	s3 =	sand.u32 $0x4000, s31;
	s1 =	sadd.s32 s1, s30  }
0xbb: {  	s0 =	sor.u32 s3, s0;
	s1 =	sshll.u32 s1, $0x11  }
0xbc: {  	s0 =	sor.u32 s1, s0  }
0xbd: {  	s0 =	sadd.s32 $0x8F2B, s0  }
0xbe: {  	[sflag:s0] =	ssyncadd.remote.s32 $0x1  }
0xbf: {  	_ =	sfence.sel $0xFFFF  }
0xc0: {  	[dreg:$0x0] =	wrdreg $0xFFFFFFFF;
	(pc) =	sbr.abs _section_cstart, $3  }
0xc1: {  	[dreg:$0x1] =	wrdreg $0xFFFFFFFF  }
0xc2: {  	_ =	task.clear_ibuf [dreg:s7], $0x2FFFF;
	_ =	strace $0x9FFFFFFF  }
0xc3: {  	(tm) =	ssettm $0x7FFFFFFF  }
tec
execute0_lowered:
.L_overlay_start_1:
0x0: {  	(tag) =	ssettag $0x1  }
0x1: {  	s4 =	rddreg [dreg:$0x0]  }
0x2: {  	s5 =	rddreg [dreg:$0x1]  }
0x3: {  	s2 =	rddreg [dreg:$0x2];
	s3 =	srdreg.scid  }
0x4: {  	s0 =	rddreg [dreg:$0x3];
	s1 =	stileid.u32;
	s10 =	simm.s32 $0x80  }
0x5: {  	s11 =	simm.s32 $0x400;
	s12 =	simm.s32 $0x800;
	s13 =	simm.s32 $0x480  }
0x6: {  	s14 =	simm.s32 $0x880;
	s15 =	simm.s32 $0x500;
	s16 =	simm.s32 $0x900  }
0x7: {  	s17 =	simm.s32 $0x580;
	s18 =	simm.s32 $0x980;
	s19 =	simm.s32 $0x600  }
0x8: {  	s20 =	simm.s32 $0xA00;
	s21 =	simm.s32 $0x680;
	s22 =	simm.s32 $0xA80  }
0x9: {  	s23 =	simm.s32 $0x700;
	s24 =	simm.s32 $0xB00;
	s26 =	simm.s32 $0xB80  }
0xa: {  	s28 =	simm.s32 $0x0;
	s6 =	sand.u32 $0x1, s3;
	s3 =	simm.s32 $0x0  }
0xb: {  	s7 =	sshll.u32 s1, $0xF;
	s31 =	sshll.u32 s1, $0x7;
	s25 =	sshll.u32 s6, $0x13  }
0xc: {  	[smem:$0x7FF] =	sst s3;
	s6 =	ssub.s32 $0x2, s6;
	s4 =	sadd.s32 s4, s31  }
0xd: {  	s8 =	sor.u32 s7, s25;
	_ =	strace $0x80000047;
	s9 =	sshrl.u32 s6, $0x1  }
0xe: {  	v0 =	vmov s25;
	s25 =	simm.s32 $0x780;
	s8 =	sshrl.u32 s8, $0x3;
	s9 =	ssub.s32 s6, s9  }
0xf: {  	s8 =	sadd.s32 s8, s5;
	s5 =	sadd.s32 s7, s2;
	s7 =	smax.u32 s9, $0x1  }
0x10: {  	v1 =	vimm.f32 $1.000000000e+00;
	v2 =	vimm.f32 $0.0e+00;
	s9 =	simm.s32 $0xC00;
	s6 =	sadd.s32 $0x400, s8;
	s8 =	simm.s32 $0x1  }
.LBB2_1:
0x11: {  	[tilespmem:s3], [sflag:$0x1] =	stream.linear.gather [hbm4b:s4+s3], $0x400, $0x38;
	[tilespmem:$0x10C00] =	vst v63  }
0x12: {  	_ =	swait.ge [sflag:s8], $0x400  }
0x13: {  	[sflag:s8] =	ssyncset.done $0x0  }
0x14: {  	s29 =	simm.s32 $0x0;
	[sflag:s8] =	ssyncadd.s32 $0xFFFFFC00  }
0x15: {  	s30 =	simm.s32 $0x40;
	v3 =	vld [tilespmem:s29+$0x0];
	[tilespmem:s29+$0x800] =	vst v1  }
.LBB2_2:
0x16: {  	_ =	sdelay $0x1  }
0x17: {  	p0 =	sne.s32 s30, $0xFC0  }
.Ltmp0:
0x18: {  	_ = 	snop;
	(pc) =	sbr.rel @p0 .LBB2_2-.Ltmp0, $4  }
0x19: {  	v4 =	vsub.s32 v3, v0  }
0x1a: {  	s31 =	sshra.s32 s30, $0x2;
	vm0 =	vlt.u32 v4, $0x80000  }
0x1b: {  	[tilespmem:s31+$0x800] =	vst v1;
	v4 =	vnsel vm0, $0x7FFFFFFF, v4  }
0x1c: {  	s30 =	sadd.s32 $0x40, s30;
	v3 =	vld [tilespmem:s31+$0x0];
	[tilespmem:s29+$0x400] =	vst v4;
	s29 =	smov.u32 s31  }
0x1d: {  	_ =	sdelay $0x3  }
0x1e: {  	v3 =	vsub.s32 v3, v0  }
0x1f: {  	vm0 =	vlt.u32 v3, $0x80000  }
0x20: {  	v3 =	vnsel vm0, $0x7FFFFFFF, v3  }
0x21: {  	s30 =	simm.s32 $0x0;
	[tilespmem:s29+$0x400] =	vst v3;
	s29 =	simm.s32 $0x40  }
.LBB2_4:
0x22: {  	p0 =	sne.s32 s29, $0x1FFC0;
	[tilespmem:s30+$0xC00] =	vst v2;
	s30 =	smov.u32 s29;
	s29 =	sadd.s32 $0x40, s29  }
.Ltmp1:
0x23: {  	(pc) =	sbr.rel @p0 .LBB2_4-.Ltmp1, $2  }
0x24: {  	_ =	sdelay $0x2  }
0x25: {  	s30 =	sshra.s32 s30, $0x2  }
0x26: {  	[tilespmem:s30+$0xC00] =	vst v2  }
0x27: {  	[spmem:s5] =	stream.linear.scatter [tilespmem:s9], [sflag:$0x1], $0x8000, $0x38;
	[tilespmem:$0x10C00] =	vst v63  }
0x28: {  	_ =	swait.ge [sflag:s8], $0x8000  }
0x29: {  	[sflag:s8] =	ssyncset.done $0x0  }
0x2a: {  	[sflag:s8] =	ssyncadd.s32 $0xFFFF8000  }
0x2b: {  	[bflag:$0x0] =	sbarrier.arrive $0xFFFF  }
0x2c: {  	(ifvalue) =	ssetifvalue $0x7FFFFFFF  }
0x2d: {  	[spmem:s2] =	stream.indirect.scatter.add.f32 [tilespmem:s12], [sflag:$0x1], $0x1, s11, s10, $0x40b8;
	[tilespmem:$0x10C00] =	vst v63  }
0x2e: {  	_ =	swait.ge [sflag:s8], $0x80  }
0x2f: {  	[sflag:s8] =	ssyncset.done $0x0  }
0x30: {  	[sflag:s8] =	ssyncadd.s32 $0xFFFFFF80;
	(ifvalue) =	ssetifvalue $0x7FFFFFFF  }
0x31: {  	[spmem:s2] =	stream.indirect.scatter.add.f32 [tilespmem:s14], [sflag:$0x1], $0x1, s13, s10, $0x40b8;
	[tilespmem:$0x10C00] =	vst v63  }
0x32: {  	_ =	swait.ge [sflag:s8], $0x80  }
0x33: {  	[sflag:s8] =	ssyncset.done $0x0  }
0x34: {  	[sflag:s8] =	ssyncadd.s32 $0xFFFFFF80;
	(ifvalue) =	ssetifvalue $0x7FFFFFFF  }
0x35: {  	[spmem:s2] =	stream.indirect.scatter.add.f32 [tilespmem:s16], [sflag:$0x1], $0x1, s15, s10, $0x40b8;
	[tilespmem:$0x10C00] =	vst v63  }
0x36: {  	_ =	swait.ge [sflag:s8], $0x80  }
0x37: {  	[sflag:s8] =	ssyncset.done $0x0  }
0x38: {  	[sflag:s8] =	ssyncadd.s32 $0xFFFFFF80;
	(ifvalue) =	ssetifvalue $0x7FFFFFFF  }
0x39: {  	[spmem:s2] =	stream.indirect.scatter.add.f32 [tilespmem:s18], [sflag:$0x1], $0x1, s17, s10, $0x40b8;
	[tilespmem:$0x10C00] =	vst v63  }
0x3a: {  	_ =	swait.ge [sflag:s8], $0x80  }
0x3b: {  	[sflag:s8] =	ssyncset.done $0x0  }
0x3c: {  	[sflag:s8] =	ssyncadd.s32 $0xFFFFFF80;
	(ifvalue) =	ssetifvalue $0x7FFFFFFF  }
0x3d: {  	[spmem:s2] =	stream.indirect.scatter.add.f32 [tilespmem:s20], [sflag:$0x1], $0x1, s19, s10, $0x40b8;
	[tilespmem:$0x10C00] =	vst v63  }
0x3e: {  	_ =	swait.ge [sflag:s8], $0x80  }
0x3f: {  	[sflag:s8] =	ssyncset.done $0x0  }
0x40: {  	[sflag:s8] =	ssyncadd.s32 $0xFFFFFF80;
	(ifvalue) =	ssetifvalue $0x7FFFFFFF  }
0x41: {  	[spmem:s2] =	stream.indirect.scatter.add.f32 [tilespmem:s22], [sflag:$0x1], $0x1, s21, s10, $0x40b8;
	[tilespmem:$0x10C00] =	vst v63  }
0x42: {  	_ =	swait.ge [sflag:s8], $0x80  }
0x43: {  	[sflag:s8] =	ssyncset.done $0x0  }
0x44: {  	[sflag:s8] =	ssyncadd.s32 $0xFFFFFF80;
	(ifvalue) =	ssetifvalue $0x7FFFFFFF  }
0x45: {  	[spmem:s2] =	stream.indirect.scatter.add.f32 [tilespmem:s24], [sflag:$0x1], $0x1, s23, s10, $0x40b8;
	[tilespmem:$0x10C00] =	vst v63  }
0x46: {  	_ =	swait.ge [sflag:s8], $0x80  }
0x47: {  	[sflag:s8] =	ssyncset.done $0x0  }
0x48: {  	[sflag:s8] =	ssyncadd.s32 $0xFFFFFF80;
	(ifvalue) =	ssetifvalue $0x7FFFFFFF  }
0x49: {  	[spmem:s2] =	stream.indirect.scatter.add.f32 [tilespmem:s26], [sflag:$0x1], $0x1, s25, s10, $0x40b8;
	[tilespmem:$0x10C00] =	vst v63  }
0x4a: {  	_ =	swait.ge [sflag:s8], $0x80  }
0x4b: {  	[sflag:s8] =	ssyncset.done $0x0  }
0x4c: {  	[sflag:s8] =	ssyncadd.s32 $0xFFFFFF80  }
0x4d: {  	[bflag:$0x0] =	sbarrier.arrive $0xFFFF  }
0x4e: {  	[tilespmem:s9], [sflag:$0x1] =	stream.linear.gather [spmem:s5], $0x8000, $0x38;
	[tilespmem:$0x10C00] =	vst v63  }
0x4f: {  	s28 =	sadd.s32 $0x1, s28;
	_ =	swait.ge [sflag:s8], $0x8000  }
0x50: {  	p0 =	sne.s32 s28, s7;
	[sflag:s8] =	ssyncset.done $0x0  }
.Ltmp2:
0x51: {  	[sflag:s8] =	ssyncadd.s32 $0xFFFF8000;
	(pc) =	sbr.rel @p0 .LBB2_1-.Ltmp2, $4  }
0x52: {  	[hbm4b:s6+s3] =	stream.linear.scatter [tilespmem:s9], [sflag:$0x1], $0x8000, $0x38;
	[tilespmem:$0x10C00] =	vst v63  }
0x53: {  	_ =	swait.ge [sflag:s8], $0x8000  }
0x54: {  	[sflag:s8] =	ssyncset.done $0x0  }
0x55: {  	[sflag:s8] =	ssyncadd.s32 $0xFFFF8000  }
0x56: {  	_ =	sfence.sel $0x180000  }
0x57: {  	[bflag:$0x0] =	sbarrier.arrive $0xFFFF  }
0x58: {  	p0 =	sne.s32 s1, $0x0;
	_ =	strace $0x90000047  }
0x59: {  	s0 =	sadd.s32 @!p0 $0x100000, s0;
	[bflag:$0x2] =	sbarrier.arrive $0xFFFF  }
0x5a: {  	[sflag:s0] =	ssyncadd.tile.s32 @!p0 $0x1;
	_ =	shalt  }
.Lfunc_end2:
_tile_overlayer_lowered:
.L_overlay_start_2:
0x5b: {  	(tag) =	ssettag $0x2  }
0x5c: {  	s0 =	rddreg [dreg:$0x0];
	s2 =	stileid.u32  }
0x5d: {  	s1 =	rddreg [dreg:$0x1];
	p0 =	sne.s32 s2, $0x0  }
0x5e: {  	s3 =	rddreg [dreg:$0x2];
	[bflag:$0x3] =	sbarrier.arrive $0xFFFF;
	s2 =	simm.s32 @!p0 $0x1C01  }
0x5f: {  	[timem:s3], [sflag:s2] =	dma.local @!p0 [hbm:s0], s1  }
0x60: {  	s0 =	simm.s32 @!p0 $0x1  }
0x61: {  	_ =	swait.ge @!p0 [sflag:s0], s1  }
0x62: {  	s1 =	ssub.s32 @!p0 $0x0, s1;
	[sflag:s0] =	ssyncset.done @!p0 $0x0  }
0x63: {  	[sflag:s0] =	ssyncadd.s32 @!p0 s1  }
0x64: {  	[bflag:$0x3] =	sbarrier.arrive $0xFFFF  }
0x65: {  	_ =	shalt  }

</sc_bundles>
